<compile_context>
chip_gen: v7x
topology: tpu7x:2x2x1
jax: 0.10.2.dev20260603
libtpu: 0.0.44.dev20260713+nightly
codegen_flags: <defaults>
</compile_context>

<pallas_src>
import functools

import jax
import jax.numpy as jnp
from jax import lax
from jax.experimental import pallas as pl
from jax.experimental.pallas import tpu as pltpu, tpu_sc as plsc

C = 128
N = 10000
E = 320000

NUM_CORES = 2
NUM_SUBCORES = 16
NUM_WORKERS = NUM_CORES * NUM_SUBCORES
CPT = C // NUM_WORKERS

CHUNK = 6400
NUM_CHUNKS = E // CHUNK
STEPS = CHUNK // 16
PAIRS = NUM_CHUNKS // 2

_mesh = plsc.VectorSubcoreMesh(core_axis_name="c", subcore_axis_name="s")


@functools.partial(
    pl.kernel,
    out_type=jax.ShapeDtypeStruct((C * N,), jnp.float32),
    mesh=_mesh,
    scratch_types=[
        pltpu.VMEM((CPT * N,), jnp.float32),
        pltpu.VMEM((CPT * N,), jnp.float32),
        pltpu.VMEM((CHUNK,), jnp.int32),
        pltpu.VMEM((CHUNK,), jnp.int32),
        pltpu.VMEM((CHUNK,), jnp.float32),
        pltpu.VMEM((CHUNK,), jnp.int32),
        pltpu.VMEM((CHUNK,), jnp.int32),
        pltpu.VMEM((CHUNK,), jnp.float32),
        pltpu.SemaphoreType.DMA,
        pltpu.SemaphoreType.DMA,
    ],
    compiler_params=pltpu.CompilerParams(needs_layout_passes=False),
)
def _graph_lap(x_hbm, w_hbm, i_hbm, j_hbm, out_hbm,
               xl, acc, ib0, jb0, wb0, ib1, jb1, wb1, sem0, sem1):
    cid = lax.axis_index("c")
    sid = lax.axis_index("s")
    wid = sid * NUM_CORES + cid
    base = wid * (CPT * N)

    pltpu.sync_copy(x_hbm.at[pl.ds(base, CPT * N)], xl)

    pltpu.async_copy(i_hbm.at[pl.ds(0, CHUNK)], ib0, sem0)
    pltpu.async_copy(j_hbm.at[pl.ds(0, CHUNK)], jb0, sem0)
    pltpu.async_copy(w_hbm.at[pl.ds(0, CHUNK)], wb0, sem0)

    zeros = jnp.zeros((16,), jnp.float32)

    def _zero(k, carry):
        acc[pl.ds(k * 16, 16)] = zeros
        return carry

    lax.fori_loop(0, CPT * N // 16, _zero, None)

    def _issue(off, ibuf, jbuf, wbuf, sem):
        pltpu.async_copy(i_hbm.at[pl.ds(off, CHUNK)], ibuf, sem)
        pltpu.async_copy(j_hbm.at[pl.ds(off, CHUNK)], jbuf, sem)
        pltpu.async_copy(w_hbm.at[pl.ds(off, CHUNK)], wbuf, sem)

    def _drain(ibuf, jbuf, wbuf, sem):
        pltpu.make_async_copy(i_hbm.at[pl.ds(0, CHUNK)], ibuf, sem).wait()
        pltpu.make_async_copy(j_hbm.at[pl.ds(0, CHUNK)], jbuf, sem).wait()
        pltpu.make_async_copy(w_hbm.at[pl.ds(0, CHUNK)], wbuf, sem).wait()

    def _process(ibuf, jbuf, wbuf):
        def _step(s, carry):
            e = s * 16
            iv = ibuf[pl.ds(e, 16)]
            jv = jbuf[pl.ds(e, 16)]
            wv = wbuf[pl.ds(e, 16)]
            w2 = wv * wv
            ais = [iv + (ch * N) for ch in range(1, CPT)]
            ajs = [jv + (ch * N) for ch in range(1, CPT)]
            ais.insert(0, iv)
            ajs.insert(0, jv)
            xis = [plsc.load_gather(xl, [a]) for a in ais]
            xjs = [plsc.load_gather(xl, [a]) for a in ajs]
            wfs = [w2 * (xjs[ch] - xis[ch]) for ch in range(CPT)]
            negs = [-wfs[ch] for ch in range(CPT)]
            for ch in range(CPT):
                plsc.addupdate_scatter(acc, [ais[ch]], wfs[ch])
                plsc.addupdate_scatter(acc, [ajs[ch]], negs[ch])
            return carry

        lax.fori_loop(0, STEPS, _step, None)

    def _pair(p, carry):
        _drain(ib0, jb0, wb0, sem0)
        _issue((2 * p + 1) * CHUNK, ib1, jb1, wb1, sem1)
        _process(ib0, jb0, wb0)
        _drain(ib1, jb1, wb1, sem1)

        @pl.when(p + 1 < PAIRS)
        def _():
            _issue((2 * p + 2) * CHUNK, ib0, jb0, wb0, sem0)

        _process(ib1, jb1, wb1)
        return carry

    lax.fori_loop(0, PAIRS, _pair, None)

    pltpu.sync_copy(acc, out_hbm.at[pl.ds(base, CPT * N)])


def kernel(x, W, iInd, jInd):
    xf = x.reshape(C * N)
    out = _graph_lap(xf, W.reshape(E), iInd.reshape(E), jInd.reshape(E))
    return out.reshape(1, C, N)

# --- scband reference (transcript-rebuilt; emitter-appended) ---
"""Pipeline reference for scband-graph-89300960018517 (READ-ONLY COPY).

The authoritative reference and input builder live on the scoring server;
editing this copy changes nothing except your own understanding.
"""

import jax, jax.numpy as jnp
import numpy as np

B, C, N, E = 1, 128, 10000, 320000


def setup_inputs(seed: int = 0) -> dict:
    key = jax.random.key(seed)
    k1, k2, k3, k4 = jax.random.split(key, 4)
    x = jax.random.normal(k1, (B, C, N), dtype=jnp.float32)
    W = jax.random.uniform(k4, (B, E), dtype=jnp.float32)
    iInd = jax.random.randint(k2, (B, E), 0, N, dtype=jnp.int64 if jax.config.jax_enable_x64 else jnp.int32)
    jInd = jax.random.randint(k3, (B, E), 0, N, dtype=jnp.int64 if jax.config.jax_enable_x64 else jnp.int32)
    return {"x": x, "W": W, "iInd": iInd, "jInd": jInd}


def reference(x, W, iInd, jInd):
    # Faithful translation of graph.nodeLap(x) = edgeDiv(nodeGrad(x)).
    # nodeGrad: g[b] = W[b] * (x[b,:,jInd[b]] - x[b,:,iInd[b]])   -> [B, C, E]
    def node_grad_b(xb, wb, ib, jb):
        src = jnp.take(xb, ib, axis=1)  # [C, E] gather of source-node features
        tgt = jnp.take(xb, jb, axis=1)  # [C, E] gather of target-node features
        return wb[None, :] * (tgt - src)

    g = jax.vmap(node_grad_b)(x, W, iInd, jInd)

    # edgeDiv: x_out[b] = scatter_add over iInd of (W[b]*g[b]) minus scatter_add over jInd
    def edge_div_b(gb, wb, ib, jb):
        wf = wb[None, :] * gb  # [C, E] (note: W applied again, as in the torch code)
        out = jnp.zeros((C, N), dtype=gb.dtype)
        out = out.at[:, ib].add(wf)
        out = out.at[:, jb].add(-wf)
        return out

    d = jax.vmap(edge_div_b)(g, W, iInd, jInd)
    return d

if __name__ == "__main__":
    import jax
    _d = setup_inputs()
    print(jax.jit(kernel)(*tuple(_d.values())))

</pallas_src>

<mosaic_0001>
#map = affine_map<(d0, d1) -> (0)>
module attributes {stable_mosaic.version = 14 : i64} {
  func.func @_graph_lap(%arg0: i32, %arg1: i32, %arg2: memref<1280000xf32, #tpu.memory_space<hbm>>, %arg3: memref<320000xf32, #tpu.memory_space<hbm>>, %arg4: memref<320000xi32, #tpu.memory_space<hbm>>, %arg5: memref<320000xi32, #tpu.memory_space<hbm>>, %arg6: memref<1280000xf32, #tpu.memory_space<hbm>>, %arg7: memref<40000xf32, #tpu.memory_space<vmem>>, %arg8: memref<40000xf32, #tpu.memory_space<vmem>>, %arg9: memref<6400xi32, #tpu.memory_space<vmem>>, %arg10: memref<6400xi32, #tpu.memory_space<vmem>>, %arg11: memref<6400xf32, #tpu.memory_space<vmem>>, %arg12: memref<6400xi32, #tpu.memory_space<vmem>>, %arg13: memref<6400xi32, #tpu.memory_space<vmem>>, %arg14: memref<6400xf32, #tpu.memory_space<vmem>>, %arg15: memref<!tpu.dma_semaphore, #tpu.memory_space<semaphore_mem>>, %arg16: memref<!tpu.dma_semaphore, #tpu.memory_space<semaphore_mem>>) attributes {dimension_semantics = [#tpu.dimension_semantics<core_parallel>, #tpu.dimension_semantics<subcore_parallel>], iteration_bounds = array<i64: 2, 16>, scalar_prefetch = 0 : i64, scratch_operands = 10 : i64, tpu.core_type = #tpu.core_type<sc_vector_subcore>, window_params = [{transform_indices = #map}, {transform_indices = #map}, {transform_indices = #map}, {transform_indices = #map}, {transform_indices = #map}]} {
    %mul3A = arith.constant 2 : i32
    %mul3A_0 = arith.muli %arg1, %mul3A : i32
    %add3A = arith.addi %mul3A_0, %arg0 : i32
    %mul3A_1 = arith.constant 40000 : i32
    %mul3A_2 = arith.muli %add3A, %mul3A_1 : i32
    "tpu.region"() ({
      %run_scoped3A = tpu.sem_alloc : memref<!tpu.dma_semaphore, #tpu.memory_space<semaphore_mem>>
      %dma_start3A_24 = tpu.memref_slice %arg2[%mul3A_2] : memref<1280000xf32, #tpu.memory_space<hbm>> -> memref<40000xf32, #tpu.memory_space<hbm>>
      %dma_start3A_25 = tpu.memref_slice %arg2[%mul3A_2] : memref<1280000xf32, #tpu.memory_space<hbm>> -> memref<40000xf32, #tpu.memory_space<hbm>>
      tpu.enqueue_dma source(%dma_start3A_25 : memref<40000xf32, #tpu.memory_space<hbm>>) target(%arg7 : memref<40000xf32, #tpu.memory_space<vmem>>) target_semaphore(%run_scoped3A : memref<!tpu.dma_semaphore, #tpu.memory_space<semaphore_mem>>)
      %dma_wait3A = tpu.memref_slice %arg2[%mul3A_2] : memref<1280000xf32, #tpu.memory_space<hbm>> -> memref<40000xf32, #tpu.memory_space<hbm>>
      %dma_wait3A_26 = tpu.memref_slice %arg2[%mul3A_2] : memref<1280000xf32, #tpu.memory_space<hbm>> -> memref<40000xf32, #tpu.memory_space<hbm>>
      tpu.wait_dma2 semaphore(%run_scoped3A : memref<!tpu.dma_semaphore, #tpu.memory_space<semaphore_mem>>) src(%dma_wait3A_26 : memref<40000xf32, #tpu.memory_space<hbm>>) dst(%arg7 : memref<40000xf32, #tpu.memory_space<vmem>>)
      tpu.yield
    }) : () -> ()
    %dma_start3A = arith.constant 0 : i32
    %dma_start3A_3 = tpu.memref_slice %arg4[%dma_start3A] : memref<320000xi32, #tpu.memory_space<hbm>> -> memref<6400xi32, #tpu.memory_space<hbm>>
    %dma_start3A_4 = arith.constant 0 : i32
    %dma_start3A_5 = tpu.memref_slice %arg4[%dma_start3A_4] : memref<320000xi32, #tpu.memory_space<hbm>> -> memref<6400xi32, #tpu.memory_space<hbm>>
    tpu.enqueue_dma source(%dma_start3A_5 : memref<6400xi32, #tpu.memory_space<hbm>>) target(%arg9 : memref<6400xi32, #tpu.memory_space<vmem>>) target_semaphore(%arg15 : memref<!tpu.dma_semaphore, #tpu.memory_space<semaphore_mem>>)
    %dma_start3A_6 = arith.constant 0 : i32
    %dma_start3A_7 = tpu.memref_slice %arg5[%dma_start3A_6] : memref<320000xi32, #tpu.memory_space<hbm>> -> memref<6400xi32, #tpu.memory_space<hbm>>
    %dma_start3A_8 = arith.constant 0 : i32
    %dma_start3A_9 = tpu.memref_slice %arg5[%dma_start3A_8] : memref<320000xi32, #tpu.memory_space<hbm>> -> memref<6400xi32, #tpu.memory_space<hbm>>
    tpu.enqueue_dma source(%dma_start3A_9 : memref<6400xi32, #tpu.memory_space<hbm>>) target(%arg10 : memref<6400xi32, #tpu.memory_space<vmem>>) target_semaphore(%arg15 : memref<!tpu.dma_semaphore, #tpu.memory_space<semaphore_mem>>)
    %dma_start3A_10 = arith.constant 0 : i32
    %dma_start3A_11 = tpu.memref_slice %arg3[%dma_start3A_10] : memref<320000xf32, #tpu.memory_space<hbm>> -> memref<6400xf32, #tpu.memory_space<hbm>>
    %dma_start3A_12 = arith.constant 0 : i32
    %dma_start3A_13 = tpu.memref_slice %arg3[%dma_start3A_12] : memref<320000xf32, #tpu.memory_space<hbm>> -> memref<6400xf32, #tpu.memory_space<hbm>>
    tpu.enqueue_dma source(%dma_start3A_13 : memref<6400xf32, #tpu.memory_space<hbm>>) target(%arg11 : memref<6400xf32, #tpu.memory_space<vmem>>) target_semaphore(%arg15 : memref<!tpu.dma_semaphore, #tpu.memory_space<semaphore_mem>>)
    %broadcast_in_dim3A = arith.constant 0.000000e+00 : f32
    %broadcast_in_dim3A_14 = vector.broadcast %broadcast_in_dim3A : f32 to vector<16xf32>
    %scan3A = arith.constant 0 : i32
    %scan3A_15 = arith.constant 2500 : i32
    %scan3A_16 = arith.addi %scan3A, %scan3A_15 : i32
    %scan3A_17 = arith.constant 1 : i32
    scf.for %scan3A_24 = %scan3A to %scan3A_16 step %scan3A_17  : i32 {
      %mul3A_25 = arith.constant 16 : i32
      %mul3A_26 = arith.muli %scan3A_24, %mul3A_25 : i32
      %swap3A = arith.index_cast %mul3A_26 : i32 to index
      %swap3A_27 = tpu.vector_load %arg8[%swap3A] {strides = array<i32>} : memref<40000xf32, #tpu.memory_space<vmem>>, vector<16xf32>,
      tpu.vector_store %arg8[%swap3A], %broadcast_in_dim3A_14 {strides = array<i32>} : memref<40000xf32, #tpu.memory_space<vmem>>, vector<16xf32>,
    }
    %scan3A_18 = arith.constant 2500 : i32
    %scan3A_19 = arith.constant 0 : i32
    %scan3A_20 = arith.constant 25 : i32
    %scan3A_21 = arith.addi %scan3A_19, %scan3A_20 : i32
    %scan3A_22 = arith.constant 1 : i32
    scf.for %scan3A_24 = %scan3A_19 to %scan3A_21 step %scan3A_22  : i32 {
      %dma_wait3A = arith.constant 0 : i32
      %dma_wait3A_25 = tpu.memref_slice %arg4[%dma_wait3A] : memref<320000xi32, #tpu.memory_space<hbm>> -> memref<6400xi32, #tpu.memory_space<hbm>>
      %dma_wait3A_26 = arith.constant 0 : i32
      %dma_wait3A_27 = tpu.memref_slice %arg4[%dma_wait3A_26] : memref<320000xi32, #tpu.memory_space<hbm>> -> memref<6400xi32, #tpu.memory_space<hbm>>
      tpu.wait_dma2 semaphore(%arg15 : memref<!tpu.dma_semaphore, #tpu.memory_space<semaphore_mem>>) src(%dma_wait3A_27 : memref<6400xi32, #tpu.memory_space<hbm>>) dst(%arg9 : memref<6400xi32, #tpu.memory_space<vmem>>)
      %dma_wait3A_28 = arith.constant 0 : i32
      %dma_wait3A_29 = tpu.memref_slice %arg5[%dma_wait3A_28] : memref<320000xi32, #tpu.memory_space<hbm>> -> memref<6400xi32, #tpu.memory_space<hbm>>
      %dma_wait3A_30 = arith.constant 0 : i32
      %dma_wait3A_31 = tpu.memref_slice %arg5[%dma_wait3A_30] : memref<320000xi32, #tpu.memory_space<hbm>> -> memref<6400xi32, #tpu.memory_space<hbm>>
      tpu.wait_dma2 semaphore(%arg15 : memref<!tpu.dma_semaphore, #tpu.memory_space<semaphore_mem>>) src(%dma_wait3A_31 : memref<6400xi32, #tpu.memory_space<hbm>>) dst(%arg10 : memref<6400xi32, #tpu.memory_space<vmem>>)
      %dma_wait3A_32 = arith.constant 0 : i32
      %dma_wait3A_33 = tpu.memref_slice %arg3[%dma_wait3A_32] : memref<320000xf32, #tpu.memory_space<hbm>> -> memref<6400xf32, #tpu.memory_space<hbm>>
      %dma_wait3A_34 = arith.constant 0 : i32
      %dma_wait3A_35 = tpu.memref_slice %arg3[%dma_wait3A_34] : memref<320000xf32, #tpu.memory_space<hbm>> -> memref<6400xf32, #tpu.memory_space<hbm>>
      tpu.wait_dma2 semaphore(%arg15 : memref<!tpu.dma_semaphore, #tpu.memory_space<semaphore_mem>>) src(%dma_wait3A_35 : memref<6400xf32, #tpu.memory_space<hbm>>) dst(%arg11 : memref<6400xf32, #tpu.memory_space<vmem>>)
      %mul3A_36 = arith.constant 2 : i32
      %mul3A_37 = arith.muli %mul3A_36, %scan3A_24 : i32
      %add3A_38 = arith.constant 1 : i32
      %add3A_39 = arith.addi %mul3A_37, %add3A_38 : i32
      %mul3A_40 = arith.constant 6400 : i32
      %mul3A_41 = arith.muli %add3A_39, %mul3A_40 : i32
      %dma_start3A_42 = tpu.memref_slice %arg4[%mul3A_41] : memref<320000xi32, #tpu.memory_space<hbm>> -> memref<6400xi32, #tpu.memory_space<hbm>>
      %dma_start3A_43 = tpu.memref_slice %arg4[%mul3A_41] : memref<320000xi32, #tpu.memory_space<hbm>> -> memref<6400xi32, #tpu.memory_space<hbm>>
      tpu.enqueue_dma source(%dma_start3A_43 : memref<6400xi32, #tpu.memory_space<hbm>>) target(%arg12 : memref<6400xi32, #tpu.memory_space<vmem>>) target_semaphore(%arg16 : memref<!tpu.dma_semaphore, #tpu.memory_space<semaphore_mem>>)
      %dma_start3A_44 = tpu.memref_slice %arg5[%mul3A_41] : memref<320000xi32, #tpu.memory_space<hbm>> -> memref<6400xi32, #tpu.memory_space<hbm>>
      %dma_start3A_45 = tpu.memref_slice %arg5[%mul3A_41] : memref<320000xi32, #tpu.memory_space<hbm>> -> memref<6400xi32, #tpu.memory_space<hbm>>
      tpu.enqueue_dma source(%dma_start3A_45 : memref<6400xi32, #tpu.memory_space<hbm>>) target(%arg13 : memref<6400xi32, #tpu.memory_space<vmem>>) target_semaphore(%arg16 : memref<!tpu.dma_semaphore, #tpu.memory_space<semaphore_mem>>)
      %dma_start3A_46 = tpu.memref_slice %arg3[%mul3A_41] : memref<320000xf32, #tpu.memory_space<hbm>> -> memref<6400xf32, #tpu.memory_space<hbm>>
      %dma_start3A_47 = tpu.memref_slice %arg3[%mul3A_41] : memref<320000xf32, #tpu.memory_space<hbm>> -> memref<6400xf32, #tpu.memory_space<hbm>>
      tpu.enqueue_dma source(%dma_start3A_47 : memref<6400xf32, #tpu.memory_space<hbm>>) target(%arg14 : memref<6400xf32, #tpu.memory_space<vmem>>) target_semaphore(%arg16 : memref<!tpu.dma_semaphore, #tpu.memory_space<semaphore_mem>>)
      %scan3A_48 = arith.constant 0 : i32
      %scan3A_49 = arith.constant 400 : i32
      %scan3A_50 = arith.addi %scan3A_48, %scan3A_49 : i32
      %scan3A_51 = arith.constant 1 : i32
      scf.for %scan3A_74 = %scan3A_48 to %scan3A_50 step %scan3A_51  : i32 {
        %mul3A_75 = arith.constant 16 : i32
        %mul3A_76 = arith.muli %scan3A_74, %mul3A_75 : i32
        %get3A = arith.index_cast %mul3A_76 : i32 to index
        %get3A_77 = tpu.vector_load %arg9[%get3A] {strides = array<i32>} : memref<6400xi32, #tpu.memory_space<vmem>>, vector<16xi32>,
        %get3A_78 = arith.index_cast %mul3A_76 : i32 to index
        %get3A_79 = tpu.vector_load %arg10[%get3A_78] {strides = array<i32>} : memref<6400xi32, #tpu.memory_space<vmem>>, vector<16xi32>,
        %get3A_80 = arith.index_cast %mul3A_76 : i32 to index
        %get3A_81 = tpu.vector_load %arg11[%get3A_80] {strides = array<i32>} : memref<6400xf32, #tpu.memory_space<vmem>>, vector<16xf32>,
        %mul3A_82 = arith.mulf %get3A_81, %get3A_81 : vector<16xf32>
        %add3A_83 = arith.constant 10000 : i32
        %add3A_84 = vector.broadcast %add3A_83 : i32 to vector<16xi32>
        %add3A_85 = arith.addi %get3A_77, %add3A_84 : vector<16xi32>
        %add3A_86 = arith.constant 20000 : i32
        %add3A_87 = vector.broadcast %add3A_86 : i32 to vector<16xi32>
        %add3A_88 = arith.addi %get3A_77, %add3A_87 : vector<16xi32>
        %add3A_89 = arith.constant 30000 : i32
        %add3A_90 = vector.broadcast %add3A_89 : i32 to vector<16xi32>
        %add3A_91 = arith.addi %get3A_77, %add3A_90 : vector<16xi32>
        %add3A_92 = arith.constant 10000 : i32
        %add3A_93 = vector.broadcast %add3A_92 : i32 to vector<16xi32>
        %add3A_94 = arith.addi %get3A_79, %add3A_93 : vector<16xi32>
        %add3A_95 = arith.constant 20000 : i32
        %add3A_96 = vector.broadcast %add3A_95 : i32 to vector<16xi32>
        %add3A_97 = arith.addi %get3A_79, %add3A_96 : vector<16xi32>
        %add3A_98 = arith.constant 30000 : i32
        %add3A_99 = vector.broadcast %add3A_98 : i32 to vector<16xi32>
        %add3A_100 = arith.addi %get3A_79, %add3A_99 : vector<16xi32>
        %gather3A = tpu.vector_load_idx %arg7[%get3A_77] : memref<40000xf32, #tpu.memory_space<vmem>>[vector<16xi32>], vector<16xf32>,
        %gather3A_101 = tpu.vector_load_idx %arg7[%add3A_85] : memref<40000xf32, #tpu.memory_space<vmem>>[vector<16xi32>], vector<16xf32>,
        %gather3A_102 = tpu.vector_load_idx %arg7[%add3A_88] : memref<40000xf32, #tpu.memory_space<vmem>>[vector<16xi32>], vector<16xf32>,
        %gather3A_103 = tpu.vector_load_idx %arg7[%add3A_91] : memref<40000xf32, #tpu.memory_space<vmem>>[vector<16xi32>], vector<16xf32>,
        %gather3A_104 = tpu.vector_load_idx %arg7[%get3A_79] : memref<40000xf32, #tpu.memory_space<vmem>>[vector<16xi32>], vector<16xf32>,
        %gather3A_105 = tpu.vector_load_idx %arg7[%add3A_94] : memref<40000xf32, #tpu.memory_space<vmem>>[vector<16xi32>], vector<16xf32>,
        %gather3A_106 = tpu.vector_load_idx %arg7[%add3A_97] : memref<40000xf32, #tpu.memory_space<vmem>>[vector<16xi32>], vector<16xf32>,
        %gather3A_107 = tpu.vector_load_idx %arg7[%add3A_100] : memref<40000xf32, #tpu.memory_space<vmem>>[vector<16xi32>], vector<16xf32>,
        %sub3A = arith.subf %gather3A_104, %gather3A : vector<16xf32>
        %mul3A_108 = arith.mulf %mul3A_82, %sub3A : vector<16xf32>
        %sub3A_109 = arith.subf %gather3A_105, %gather3A_101 : vector<16xf32>
        %mul3A_110 = arith.mulf %mul3A_82, %sub3A_109 : vector<16xf32>
        %sub3A_111 = arith.subf %gather3A_106, %gather3A_102 : vector<16xf32>
        %mul3A_112 = arith.mulf %mul3A_82, %sub3A_111 : vector<16xf32>
        %sub3A_113 = arith.subf %gather3A_107, %gather3A_103 : vector<16xf32>
        %mul3A_114 = arith.mulf %mul3A_82, %sub3A_113 : vector<16xf32>
        %neg3A = arith.constant 0.000000e+00 : f32
        %neg3A_115 = vector.broadcast %neg3A : f32 to vector<16xf32>
        %neg3A_116 = arith.subf %neg3A_115, %mul3A_108 : vector<16xf32>
        %neg3A_117 = arith.constant 0.000000e+00 : f32
        %neg3A_118 = vector.broadcast %neg3A_117 : f32 to vector<16xf32>
        %neg3A_119 = arith.subf %neg3A_118, %mul3A_110 : vector<16xf32>
        %neg3A_120 = arith.constant 0.000000e+00 : f32
        %neg3A_121 = vector.broadcast %neg3A_120 : f32 to vector<16xf32>
        %neg3A_122 = arith.subf %neg3A_121, %mul3A_112 : vector<16xf32>
        %neg3A_123 = arith.constant 0.000000e+00 : f32
        %neg3A_124 = vector.broadcast %neg3A_123 : f32 to vector<16xf32>
        %neg3A_125 = arith.subf %neg3A_124, %mul3A_114 : vector<16xf32>
        tpu.vector_store_idx %arg8[%get3A_77], %mul3A_108 {add = true} : memref<40000xf32, #tpu.memory_space<vmem>>[vector<16xi32>], vector<16xf32>,
        tpu.vector_store_idx %arg8[%get3A_79], %neg3A_116 {add = true} : memref<40000xf32, #tpu.memory_space<vmem>>[vector<16xi32>], vector<16xf32>,
        tpu.vector_store_idx %arg8[%add3A_85], %mul3A_110 {add = true} : memref<40000xf32, #tpu.memory_space<vmem>>[vector<16xi32>], vector<16xf32>,
        tpu.vector_store_idx %arg8[%add3A_94], %neg3A_119 {add = true} : memref<40000xf32, #tpu.memory_space<vmem>>[vector<16xi32>], vector<16xf32>,
        tpu.vector_store_idx %arg8[%add3A_88], %mul3A_112 {add = true} : memref<40000xf32, #tpu.memory_space<vmem>>[vector<16xi32>], vector<16xf32>,
        tpu.vector_store_idx %arg8[%add3A_97], %neg3A_122 {add = true} : memref<40000xf32, #tpu.memory_space<vmem>>[vector<16xi32>], vector<16xf32>,
        tpu.vector_store_idx %arg8[%add3A_91], %mul3A_114 {add = true} : memref<40000xf32, #tpu.memory_space<vmem>>[vector<16xi32>], vector<16xf32>,
        tpu.vector_store_idx %arg8[%add3A_100], %neg3A_125 {add = true} : memref<40000xf32, #tpu.memory_space<vmem>>[vector<16xi32>], vector<16xf32>,
      }
      %scan3A_52 = arith.constant 400 : i32
      %dma_wait3A_53 = arith.constant 0 : i32
      %dma_wait3A_54 = tpu.memref_slice %arg4[%dma_wait3A_53] : memref<320000xi32, #tpu.memory_space<hbm>> -> memref<6400xi32, #tpu.memory_space<hbm>>
      %dma_wait3A_55 = arith.constant 0 : i32
      %dma_wait3A_56 = tpu.memref_slice %arg4[%dma_wait3A_55] : memref<320000xi32, #tpu.memory_space<hbm>> -> memref<6400xi32, #tpu.memory_space<hbm>>
      tpu.wait_dma2 semaphore(%arg16 : memref<!tpu.dma_semaphore, #tpu.memory_space<semaphore_mem>>) src(%dma_wait3A_56 : memref<6400xi32, #tpu.memory_space<hbm>>) dst(%arg12 : memref<6400xi32, #tpu.memory_space<vmem>>)
      %dma_wait3A_57 = arith.constant 0 : i32
      %dma_wait3A_58 = tpu.memref_slice %arg5[%dma_wait3A_57] : memref<320000xi32, #tpu.memory_space<hbm>> -> memref<6400xi32, #tpu.memory_space<hbm>>
      %dma_wait3A_59 = arith.constant 0 : i32
      %dma_wait3A_60 = tpu.memref_slice %arg5[%dma_wait3A_59] : memref<320000xi32, #tpu.memory_space<hbm>> -> memref<6400xi32, #tpu.memory_space<hbm>>
      tpu.wait_dma2 semaphore(%arg16 : memref<!tpu.dma_semaphore, #tpu.memory_space<semaphore_mem>>) src(%dma_wait3A_60 : memref<6400xi32, #tpu.memory_space<hbm>>) dst(%arg13 : memref<6400xi32, #tpu.memory_space<vmem>>)
      %dma_wait3A_61 = arith.constant 0 : i32
      %dma_wait3A_62 = tpu.memref_slice %arg3[%dma_wait3A_61] : memref<320000xf32, #tpu.memory_space<hbm>> -> memref<6400xf32, #tpu.memory_space<hbm>>
      %dma_wait3A_63 = arith.constant 0 : i32
      %dma_wait3A_64 = tpu.memref_slice %arg3[%dma_wait3A_63] : memref<320000xf32, #tpu.memory_space<hbm>> -> memref<6400xf32, #tpu.memory_space<hbm>>
      tpu.wait_dma2 semaphore(%arg16 : memref<!tpu.dma_semaphore, #tpu.memory_space<semaphore_mem>>) src(%dma_wait3A_64 : memref<6400xf32, #tpu.memory_space<hbm>>) dst(%arg14 : memref<6400xf32, #tpu.memory_space<vmem>>)
      %add3A_65 = arith.constant 1 : i32
      %add3A_66 = arith.addi %scan3A_24, %add3A_65 : i32
      %lt3A = arith.constant 25 : i32
      %lt3A_67 = arith.cmpi slt, %add3A_66, %lt3A : i32
      %convert_element_type3A = arith.extui %lt3A_67 : i1 to i32
      %cond3A = arith.constant 0 : i32
      %cond3A_68 = arith.cmpi ne, %convert_element_type3A, %cond3A : i32
      scf.if %cond3A_68 {
        %mul3A_74 = arith.constant 2 : i32
        %mul3A_75 = arith.muli %mul3A_74, %scan3A_24 : i32
        %add3A_76 = arith.constant 2 : i32
        %add3A_77 = arith.addi %mul3A_75, %add3A_76 : i32
        %mul3A_78 = arith.constant 6400 : i32
        %mul3A_79 = arith.muli %add3A_77, %mul3A_78 : i32
        %dma_start3A_80 = tpu.memref_slice %arg4[%mul3A_79] : memref<320000xi32, #tpu.memory_space<hbm>> -> memref<6400xi32, #tpu.memory_space<hbm>>
        %dma_start3A_81 = tpu.memref_slice %arg4[%mul3A_79] : memref<320000xi32, #tpu.memory_space<hbm>> -> memref<6400xi32, #tpu.memory_space<hbm>>
        tpu.enqueue_dma source(%dma_start3A_81 : memref<6400xi32, #tpu.memory_space<hbm>>) target(%arg9 : memref<6400xi32, #tpu.memory_space<vmem>>) target_semaphore(%arg15 : memref<!tpu.dma_semaphore, #tpu.memory_space<semaphore_mem>>)
        %dma_start3A_82 = tpu.memref_slice %arg5[%mul3A_79] : memref<320000xi32, #tpu.memory_space<hbm>> -> memref<6400xi32, #tpu.memory_space<hbm>>
        %dma_start3A_83 = tpu.memref_slice %arg5[%mul3A_79] : memref<320000xi32, #tpu.memory_space<hbm>> -> memref<6400xi32, #tpu.memory_space<hbm>>
        tpu.enqueue_dma source(%dma_start3A_83 : memref<6400xi32, #tpu.memory_space<hbm>>) target(%arg10 : memref<6400xi32, #tpu.memory_space<vmem>>) target_semaphore(%arg15 : memref<!tpu.dma_semaphore, #tpu.memory_space<semaphore_mem>>)
        %dma_start3A_84 = tpu.memref_slice %arg3[%mul3A_79] : memref<320000xf32, #tpu.memory_space<hbm>> -> memref<6400xf32, #tpu.memory_space<hbm>>
        %dma_start3A_85 = tpu.memref_slice %arg3[%mul3A_79] : memref<320000xf32, #tpu.memory_space<hbm>> -> memref<6400xf32, #tpu.memory_space<hbm>>
        tpu.enqueue_dma source(%dma_start3A_85 : memref<6400xf32, #tpu.memory_space<hbm>>) target(%arg11 : memref<6400xf32, #tpu.memory_space<vmem>>) target_semaphore(%arg15 : memref<!tpu.dma_semaphore, #tpu.memory_space<semaphore_mem>>)
      } else {
      }
      %scan3A_69 = arith.constant 0 : i32
      %scan3A_70 = arith.constant 400 : i32
      %scan3A_71 = arith.addi %scan3A_69, %scan3A_70 : i32
      %scan3A_72 = arith.constant 1 : i32
      scf.for %scan3A_74 = %scan3A_69 to %scan3A_71 step %scan3A_72  : i32 {
        %mul3A_75 = arith.constant 16 : i32
        %mul3A_76 = arith.muli %scan3A_74, %mul3A_75 : i32
        %get3A = arith.index_cast %mul3A_76 : i32 to index
        %get3A_77 = tpu.vector_load %arg12[%get3A] {strides = array<i32>} : memref<6400xi32, #tpu.memory_space<vmem>>, vector<16xi32>,
        %get3A_78 = arith.index_cast %mul3A_76 : i32 to index
        %get3A_79 = tpu.vector_load %arg13[%get3A_78] {strides = array<i32>} : memref<6400xi32, #tpu.memory_space<vmem>>, vector<16xi32>,
        %get3A_80 = arith.index_cast %mul3A_76 : i32 to index
        %get3A_81 = tpu.vector_load %arg14[%get3A_80] {strides = array<i32>} : memref<6400xf32, #tpu.memory_space<vmem>>, vector<16xf32>,
        %mul3A_82 = arith.mulf %get3A_81, %get3A_81 : vector<16xf32>
        %add3A_83 = arith.constant 10000 : i32
        %add3A_84 = vector.broadcast %add3A_83 : i32 to vector<16xi32>
        %add3A_85 = arith.addi %get3A_77, %add3A_84 : vector<16xi32>
        %add3A_86 = arith.constant 20000 : i32
        %add3A_87 = vector.broadcast %add3A_86 : i32 to vector<16xi32>
        %add3A_88 = arith.addi %get3A_77, %add3A_87 : vector<16xi32>
        %add3A_89 = arith.constant 30000 : i32
        %add3A_90 = vector.broadcast %add3A_89 : i32 to vector<16xi32>
        %add3A_91 = arith.addi %get3A_77, %add3A_90 : vector<16xi32>
        %add3A_92 = arith.constant 10000 : i32
        %add3A_93 = vector.broadcast %add3A_92 : i32 to vector<16xi32>
        %add3A_94 = arith.addi %get3A_79, %add3A_93 : vector<16xi32>
        %add3A_95 = arith.constant 20000 : i32
        %add3A_96 = vector.broadcast %add3A_95 : i32 to vector<16xi32>
        %add3A_97 = arith.addi %get3A_79, %add3A_96 : vector<16xi32>
        %add3A_98 = arith.constant 30000 : i32
        %add3A_99 = vector.broadcast %add3A_98 : i32 to vector<16xi32>
        %add3A_100 = arith.addi %get3A_79, %add3A_99 : vector<16xi32>
        %gather3A = tpu.vector_load_idx %arg7[%get3A_77] : memref<40000xf32, #tpu.memory_space<vmem>>[vector<16xi32>], vector<16xf32>,
        %gather3A_101 = tpu.vector_load_idx %arg7[%add3A_85] : memref<40000xf32, #tpu.memory_space<vmem>>[vector<16xi32>], vector<16xf32>,
        %gather3A_102 = tpu.vector_load_idx %arg7[%add3A_88] : memref<40000xf32, #tpu.memory_space<vmem>>[vector<16xi32>], vector<16xf32>,
        %gather3A_103 = tpu.vector_load_idx %arg7[%add3A_91] : memref<40000xf32, #tpu.memory_space<vmem>>[vector<16xi32>], vector<16xf32>,
        %gather3A_104 = tpu.vector_load_idx %arg7[%get3A_79] : memref<40000xf32, #tpu.memory_space<vmem>>[vector<16xi32>], vector<16xf32>,
        %gather3A_105 = tpu.vector_load_idx %arg7[%add3A_94] : memref<40000xf32, #tpu.memory_space<vmem>>[vector<16xi32>], vector<16xf32>,
        %gather3A_106 = tpu.vector_load_idx %arg7[%add3A_97] : memref<40000xf32, #tpu.memory_space<vmem>>[vector<16xi32>], vector<16xf32>,
        %gather3A_107 = tpu.vector_load_idx %arg7[%add3A_100] : memref<40000xf32, #tpu.memory_space<vmem>>[vector<16xi32>], vector<16xf32>,
        %sub3A = arith.subf %gather3A_104, %gather3A : vector<16xf32>
        %mul3A_108 = arith.mulf %mul3A_82, %sub3A : vector<16xf32>
        %sub3A_109 = arith.subf %gather3A_105, %gather3A_101 : vector<16xf32>
        %mul3A_110 = arith.mulf %mul3A_82, %sub3A_109 : vector<16xf32>
        %sub3A_111 = arith.subf %gather3A_106, %gather3A_102 : vector<16xf32>
        %mul3A_112 = arith.mulf %mul3A_82, %sub3A_111 : vector<16xf32>
        %sub3A_113 = arith.subf %gather3A_107, %gather3A_103 : vector<16xf32>
        %mul3A_114 = arith.mulf %mul3A_82, %sub3A_113 : vector<16xf32>
        %neg3A = arith.constant 0.000000e+00 : f32
        %neg3A_115 = vector.broadcast %neg3A : f32 to vector<16xf32>
        %neg3A_116 = arith.subf %neg3A_115, %mul3A_108 : vector<16xf32>
        %neg3A_117 = arith.constant 0.000000e+00 : f32
        %neg3A_118 = vector.broadcast %neg3A_117 : f32 to vector<16xf32>
        %neg3A_119 = arith.subf %neg3A_118, %mul3A_110 : vector<16xf32>
        %neg3A_120 = arith.constant 0.000000e+00 : f32
        %neg3A_121 = vector.broadcast %neg3A_120 : f32 to vector<16xf32>
        %neg3A_122 = arith.subf %neg3A_121, %mul3A_112 : vector<16xf32>
        %neg3A_123 = arith.constant 0.000000e+00 : f32
        %neg3A_124 = vector.broadcast %neg3A_123 : f32 to vector<16xf32>
        %neg3A_125 = arith.subf %neg3A_124, %mul3A_114 : vector<16xf32>
        tpu.vector_store_idx %arg8[%get3A_77], %mul3A_108 {add = true} : memref<40000xf32, #tpu.memory_space<vmem>>[vector<16xi32>], vector<16xf32>,
        tpu.vector_store_idx %arg8[%get3A_79], %neg3A_116 {add = true} : memref<40000xf32, #tpu.memory_space<vmem>>[vector<16xi32>], vector<16xf32>,
        tpu.vector_store_idx %arg8[%add3A_85], %mul3A_110 {add = true} : memref<40000xf32, #tpu.memory_space<vmem>>[vector<16xi32>], vector<16xf32>,
        tpu.vector_store_idx %arg8[%add3A_94], %neg3A_119 {add = true} : memref<40000xf32, #tpu.memory_space<vmem>>[vector<16xi32>], vector<16xf32>,
        tpu.vector_store_idx %arg8[%add3A_88], %mul3A_112 {add = true} : memref<40000xf32, #tpu.memory_space<vmem>>[vector<16xi32>], vector<16xf32>,
        tpu.vector_store_idx %arg8[%add3A_97], %neg3A_122 {add = true} : memref<40000xf32, #tpu.memory_space<vmem>>[vector<16xi32>], vector<16xf32>,
        tpu.vector_store_idx %arg8[%add3A_91], %mul3A_114 {add = true} : memref<40000xf32, #tpu.memory_space<vmem>>[vector<16xi32>], vector<16xf32>,
        tpu.vector_store_idx %arg8[%add3A_100], %neg3A_125 {add = true} : memref<40000xf32, #tpu.memory_space<vmem>>[vector<16xi32>], vector<16xf32>,
      }
      %scan3A_73 = arith.constant 400 : i32
    }
    %scan3A_23 = arith.constant 25 : i32
    "tpu.region"() ({
      %run_scoped3A = tpu.sem_alloc : memref<!tpu.dma_semaphore, #tpu.memory_space<semaphore_mem>>
      %dma_start3A_24 = tpu.memref_slice %arg6[%mul3A_2] : memref<1280000xf32, #tpu.memory_space<hbm>> -> memref<40000xf32, #tpu.memory_space<hbm>>
      %dma_start3A_25 = tpu.memref_slice %arg6[%mul3A_2] : memref<1280000xf32, #tpu.memory_space<hbm>> -> memref<40000xf32, #tpu.memory_space<hbm>>
      tpu.enqueue_dma source(%arg8 : memref<40000xf32, #tpu.memory_space<vmem>>) target(%dma_start3A_25 : memref<40000xf32, #tpu.memory_space<hbm>>) target_semaphore(%run_scoped3A : memref<!tpu.dma_semaphore, #tpu.memory_space<semaphore_mem>>)
      %dma_wait3A = tpu.memref_slice %arg6[%mul3A_2] : memref<1280000xf32, #tpu.memory_space<hbm>> -> memref<40000xf32, #tpu.memory_space<hbm>>
      %dma_wait3A_26 = tpu.memref_slice %arg6[%mul3A_2] : memref<1280000xf32, #tpu.memory_space<hbm>> -> memref<40000xf32, #tpu.memory_space<hbm>>
      tpu.wait_dma2 semaphore(%run_scoped3A : memref<!tpu.dma_semaphore, #tpu.memory_space<semaphore_mem>>) src(%arg8 : memref<40000xf32, #tpu.memory_space<vmem>>) dst(%dma_wait3A_26 : memref<40000xf32, #tpu.memory_space<hbm>>)
      tpu.yield
    }) : () -> ()
    return
  }
}

</mosaic_0001>

<sc_bundles>
// kernel: kernel.3.cloned.1.call-start
scs
__scs_entry_jumppad:
0x0: {  	(pc) =	sbr.rel $0x88, $3  }
0x1: {  	(tag) =	ssettag $0x0;
	lr =	simm.s32 $0x1  }
0x2: {  	[smem:$0x3F9D] =	sst lr;
	_ =	strace $0xD0000000  }
0x3: {  	_ = 	snop  }
0x4: {  	_ = 	snop  }
0x5: {  	_ = 	snop  }
0x6: {  	_ = 	snop  }
0x7: {  	_ = 	snop  }
__scs_overlays_trampoline_lowered:
0x8: {  	[smem:$0x3FAC] =	sst s0  }
0x9: {  	[smem:$0x3FAD] =	sst s1  }
0xa: {  	[smem:$0x3FAE] =	sst s2  }
0xb: {  	[smem:$0x3FAF] =	sst s3  }
0xc: {  	[smem:$0x3FB0] =	sst s4  }
0xd: {  	[smem:$0x3FB1] =	sst s5  }
0xe: {  	[smem:$0x3FB2] =	sst s6  }
0xf: {  	[smem:$0x3FB3] =	sst s7  }
0x10: {  	[smem:$0x3FB4] =	sst s8  }
0x11: {  	[smem:$0x3FB5] =	sst s9;
	s0 =	simm.s32 @!p0 $0x0  }
0x12: {  	s1 =	sld [smem:$0x3F9B];
	s0 =	simm.s32 @p0 $0x1  }
0x13: {  	[smem:$0x3FB6] =	sst s0;
	s0 =	simm.s32 @!p1 $0x0  }
0x14: {  	s2 =	sld [smem:$0x3F9A];
	s0 =	simm.s32 @p1 $0x1  }
0x15: {  	[smem:$0x3FB7] =	sst s0;
	s0 =	simm.s32 @!p2 $0x0  }
0x16: {  	s3 =	sld [smem:$0x3FDB];
	s0 =	simm.s32 @p2 $0x1  }
0x17: {  	s4 =	simm.s32 $0x1BF5;
	[smem:$0x3FB9] =	sst s0  }
0x18: {  	s0 =	sld [smem:$0x3F9C];
	_ =	swait.ge [sflag:s4], $0x0  }
0x19: {  	s7 =	sld [smem:$0x3F9D]  }
0x1a: {  	s8 =	sadd.s32 $0xFFFFE003, lr  }
0x1b: {  	s9 =	sadd.s32 $0xFFFFFEF7, lr;
	s5 =	simm.s32 $0xFFFFFFFF;
	p2 =	slt.u32 s8, $0xFFFFF086  }
0x1c: {  	p1 =	slt.u32 s9, $0xF7A;
	s5 =	simm.s32 @!p2 $0x0  }
0x1d: {  	s5 =	simm.s32 @p1 $0x1;
	p0 =	seq.s32 s7, s2  }
0x1e: {  	s7 =	smul.u32 @!p0 $0xF7A, s2;
	p2 =	seq.s32 @!p0 s5, $0x0  }
0x1f: {  	s9 =	smul.u32 $0xF7A, s1;
	s8 =	simm.s32 @!p0 $0x1BF5;
	p2 =	por !p2, p0  }
0x20: {  	[sflag:s8] =	ssyncset.s32 @!p0 $0xFFFFF086;
	s6 =	sadd.s32 @!p0 s3, s7;
	s7 =	simm.s32 @!p0 $0x108  }
0x21: {  	s3 =	sadd.s32 s3, s9;
	s6 =	sadd.s32 @!p0 $0x88, s6;
	s7 =	simm.s32 @p2 $0x1082  }
0x22: {  	[simem:s7], [sflag:s8] =	dma.local @!p0 [hbm:s6], $0xF7A  }
0x23: {  	s9 =	sor.u32 $0xD0000000, s2;
	s6 =	simm.s32 $0x108;
	_ =	swait.ge @!p0 [sflag:s8], $0x0  }
0x24: {  	s3 =	sadd.s32 $0x88, s3;
	s6 =	simm.s32 @!p1 $0x1082;
	[sflag:s4] =	ssyncset.s32 $0xFFFFF086  }
0x25: {  	[simem:s6], [sflag:s4] =	dma.local [hbm:s3], $0xF7A  }
0x26: {  	[smem:$0x3F9D] =	sst s1;
	(tag) =	ssettag s2;
	_ =	strace s9  }
0x27: {  	s1 =	sld [smem:$0x3FAD]  }
0x28: {  	s2 =	sld [smem:$0x3FAE]  }
0x29: {  	s4 =	sld [smem:$0x3FB0]  }
0x2a: {  	p0 =	seq.s32 s5, $0x0;
	s5 =	sld [smem:$0x3FB1]  }
0x2b: {  	s6 =	sld [smem:$0x3FB2]  }
0x2c: {  	s7 =	sld [smem:$0x3FB3]  }
0x2d: {  	s3 =	simm.s32 $0x108;
	s8 =	sld [smem:$0x3FB4]  }
0x2e: {  	s3 =	simm.s32 @!p0 $0x1082;
	s9 =	sld [smem:$0x3FB5]  }
0x2f: {  	lr =	sadd.s32 s0, s3;
	s0 =	sld [smem:$0x3FAC]  }
0x30: {  	s3 =	sld [smem:$0x3FAF]  }
0x31: {  	[smem:$0x3FB8] =	sst s10  }
0x32: {  	s10 =	sld [smem:$0x3FB6];
	_ =	sdelay $0x3  }
0x33: {  	p0 =	seq.s32 s10, $0x1;
	s10 =	sld [smem:$0x3FB8];
	_ =	sdelay $0x3  }
0x34: {  	[smem:$0x3FB8] =	sst s10  }
0x35: {  	s10 =	sld [smem:$0x3FB7];
	_ =	sdelay $0x3  }
0x36: {  	p1 =	seq.s32 s10, $0x1;
	s10 =	sld [smem:$0x3FB8];
	_ =	sdelay $0x3  }
0x37: {  	[smem:$0x3FB8] =	sst s10  }
0x38: {  	s10 =	sld [smem:$0x3FB9]  }
0x39: {  	_ = 	snop;
	(pc) =	sbr.ind lr, $3  }
0x3a: {  	_ = 	snop  }
0x3b: {  	_ = 	snop  }
0x3c: {  	p2 =	seq.s32 s10, $0x1;
	s10 =	sld [smem:$0x3FB8]  }
0x3d: {  	_ =	shalt  }
0x3e: {  	_ =	shalt  }
0x3f: {  	_ =	shalt  }
0x40: {  	_ =	shalt  }
0x41: {  	_ =	shalt  }
0x42: {  	_ =	shalt  }
0x43: {  	_ =	shalt  }
0x44: {  	_ =	shalt  }
0x45: {  	_ =	shalt  }
0x46: {  	_ =	shalt  }
0x47: {  	_ =	shalt  }
0x48: {  	_ =	shalt  }
0x49: {  	_ =	shalt  }
0x4a: {  	_ =	shalt  }
0x4b: {  	_ =	shalt  }
0x4c: {  	_ =	shalt  }
0x4d: {  	_ =	shalt  }
0x4e: {  	_ =	shalt  }
0x4f: {  	_ =	shalt  }
0x50: {  	_ =	shalt  }
0x51: {  	_ =	shalt  }
0x52: {  	_ =	shalt  }
0x53: {  	_ =	shalt  }
0x54: {  	_ =	shalt  }
0x55: {  	_ =	shalt  }
0x56: {  	_ =	shalt  }
0x57: {  	_ =	shalt  }
0x58: {  	_ =	shalt  }
0x59: {  	_ =	shalt  }
0x5a: {  	_ =	shalt  }
0x5b: {  	_ =	shalt  }
0x5c: {  	_ =	shalt  }
0x5d: {  	_ =	shalt  }
0x5e: {  	_ =	shalt  }
0x5f: {  	_ =	shalt  }
0x60: {  	_ =	shalt  }
0x61: {  	_ =	shalt  }
0x62: {  	_ =	shalt  }
0x63: {  	_ =	shalt  }
0x64: {  	_ =	shalt  }
0x65: {  	_ =	shalt  }
0x66: {  	_ =	shalt  }
0x67: {  	_ =	shalt  }
0x68: {  	_ =	shalt  }
0x69: {  	_ =	shalt  }
0x6a: {  	_ =	shalt  }
0x6b: {  	_ =	shalt  }
0x6c: {  	_ =	shalt  }
0x6d: {  	_ =	shalt  }
0x6e: {  	_ =	shalt  }
0x6f: {  	_ =	shalt  }
0x70: {  	_ =	shalt  }
0x71: {  	_ =	shalt  }
0x72: {  	_ =	shalt  }
0x73: {  	_ =	shalt  }
0x74: {  	_ =	shalt  }
0x75: {  	_ =	shalt  }
0x76: {  	_ =	shalt  }
0x77: {  	_ =	shalt  }
0x78: {  	_ =	shalt  }
0x79: {  	_ =	shalt  }
0x7a: {  	_ =	shalt  }
0x7b: {  	_ =	shalt  }
0x7c: {  	_ =	shalt  }
0x7d: {  	_ =	shalt  }
0x7e: {  	_ =	shalt  }
0x7f: {  	_ =	shalt  }
0x80: {  	_ =	shalt  }
0x81: {  	_ =	shalt  }
0x82: {  	_ =	shalt  }
0x83: {  	_ =	shalt  }
0x84: {  	_ =	shalt  }
0x85: {  	_ =	shalt  }
0x86: {  	_ =	shalt  }
0x87: {  	_ =	shalt  }
.Lfunc_end0:
.L_simem_size_0:
called_computation_lowered:
.L_overlay_start_0:
0x88: {  	s2 =	sld [smem:$0x3FD9]  }
0x89: {  	s3 =	sld [smem:$0x3FFE];
	_ =	sdelay $0x1  }
0x8a: {  	s1 =	srdreg.scid  }
0x8b: {  	s0 =	sand.u32 $0x1, s1  }
0x8c: {  	s17 =	sshll.u32 s0, $0xA;
	s2 =	sadd.s32 s3, s2  }
0x8d: {  	s2 =	sadd.s32 s2, s17  }
0x8e: {  	[smem:$0x3FC4] =	sst s2  }
0x8f: {  	_ = 	snop  }
0x90: {  	s2 =	sld [smem:$0x3FD0];
	(tm) =	ssettm $0x1  }
0x91: {  	s18 =	sld [smem:$0x3FFB];
	_ =	sdelay $0x3  }
0x92: {  	_ =	strace s18  }
0x93: {  	s3 =	sld [smem:$0x3FFC];
	_ =	sdelay $0x3  }
0x94: {  	_ =	strace s3  }
0x95: {  	s3 =	sld [smem:$0x3FFD];
	_ =	sdelay $0x3  }
0x96: {  	_ =	strace s3  }
0x97: {  	_ =	strace $0x8FFFFFFF  }
0x98: {  	s19 =	sld [smem:$0x3FDB];
	_ =	sdelay $0x1  }
0x99: {  	s4 =	simm.s32 $_scs_section_size  }
0x9a: {  	s5 =	simm.s32 $_size__tile_overlayer_lowered;
	s6 =	simm.s32 $_tile_overlayer_lowered  }
0x9b: {  	s22 =	simm.s32 $0x1BFF;
	s21 =	sshll.u32 s6, $0x1;
	s3 =	sadd.s32 s4, s19  }
0x9c: {  	s7 =	simm.s32 $0x0;
	s20 =	sshll.u32 s5, $0x1;
	s5 =	sadd.s32 s21, s3  }
0x9d: {  	[timem:s7], [sflag:s22] =	dma.local [hbm:s5], s20  }
0x9e: {  	_ =	swait.ge [sflag:s22], s20  }
0x9f: {  	s4 =	ssub.s32 $0x0, s20;
	[sflag:s22] =	ssyncset.done $0x0  }
0xa0: {  	[sflag:s22] =	ssyncadd.s32 s4;
	_ =	sdelay $0x1  }
0xa1: {  	s23 =	simm.s32 $0x1B8B  }
0xa2: {  	_ =	swait.ge [sflag:s23], $0x1  }
0xa3: {  	[sflag:s23] =	ssyncset.done $0x0  }
0xa4: {  	s25 =	simm.s32 $0x1B8E;
	s24 =	sld [smem:$0x3FFE];
	[sflag:s23] =	ssyncadd.s32 $0xFFFFFFFF  }
0xa5: {  	s26 =	simm.s32 $execute0_lowered;
	[smem:$0x3FD2] =	sst s25  }
0xa6: {  	s5 =	sshll.u32 s26, $0x1;
	_ =	strace $0x80000046;
	[dreg:$0x1] =	wrdreg $0xFFFFFFFF  }
0xa7: {  	s28 =	simm.s32 $_size_execute0_lowered;
	s3 =	sadd.s32 s3, s5;
	[dreg:$0x0] =	wrdreg $0x0  }
0xa8: {  	s5 =	sshll.u32 s28, $0x1;
	[dreg:$0x2] =	wrdreg s3  }
0xa9: {  	[dreg:$0x3] =	wrdreg s5  }
0xaa: {  	[dreg:$0x4] =	wrdreg $0xC0  }
0xab: {  	_ =	task [dreg:s7], $0x5FFFF  }
0xac: {  	[dreg:$0x1] =	wrdreg $0xFFFFFFFF  }
0xad: {  	[dreg:$0x0] =	wrdreg $0x60  }
0xae: {  	[dreg:$0x2] =	wrdreg s2  }
0xaf: {  	[dreg:$0x3] =	wrdreg s24  }
0xb0: {  	[dreg:$0x4] =	wrdreg $0x9  }
0xb1: {  	_ =	task.clear_ibuf [dreg:s7], $0x5FFFF;
	_ =	strace $0x90000046  }
0xb2: {  	s29 =	simm.s32 $0x9;
	_ =	strace $0x80000048  }
0xb3: {  	_ =	swait.ge [sflag:s29], $0x1  }
0xb4: {  	[sflag:s29] =	ssyncadd.s32 $0xFFFFFFFF  }
0xb5: {  	_ =	strace $0x90000048  }
0xb6: {  	_ =	sfence  }
0xb7: {  	s30 =	sld [smem:$0x0];
	_ =	sdelay $0x2  }
0xb8: {  	s31 =	sshll.u32 s1, $0xD;
	s1 =	sshrl.u32 s1, $0x2  }
0xb9: {  	s3 =	sand.u32 $0x4000, s31;
	s1 =	sadd.s32 s1, s30  }
0xba: {  	s0 =	sor.u32 s3, s0;
	s1 =	sshll.u32 s1, $0x11  }
0xbb: {  	s0 =	sor.u32 s1, s0  }
0xbc: {  	s0 =	sadd.s32 $0x8F2B, s0  }
0xbd: {  	[sflag:s0] =	ssyncadd.remote.s32 $0x1  }
0xbe: {  	_ =	sfence.sel $0xFFFF  }
0xbf: {  	[dreg:$0x0] =	wrdreg $0xFFFFFFFF;
	(pc) =	sbr.abs _section_cstart, $3  }
0xc0: {  	[dreg:$0x1] =	wrdreg $0xFFFFFFFF  }
0xc1: {  	_ =	task.clear_ibuf [dreg:s7], $0x2FFFF;
	_ =	strace $0x9FFFFFFF  }
0xc2: {  	(tm) =	ssettm $0x7FFFFFFF  }
0xc3: {  	_ =	shalt  }
tec
execute0_lowered:
.L_overlay_start_1:
0x0: {  	(tag) =	ssettag $0x1  }
0x1: {  	s6 =	rddreg [dreg:$0x0];
	s1 =	srdreg.scid  }
0x2: {  	s0 =	stileid.u32;
	s2 =	rddreg [dreg:$0x1];
	s3 =	simm.s32 $0x0  }
0x3: {  	s11 =	simm.s32 $0x15200;
	s12 =	simm.s32 $0x16B00;
	s13 =	simm.s32 $0x1  }
0x4: {  	s14 =	simm.s32 $0x18400;
	s15 =	simm.s32 $0x19D00;
	s16 =	simm.s32 $0x1B600  }
0x5: {  	s17 =	simm.s32 $0x9C80;
	s18 =	simm.s32 $0x2;
	s19 =	simm.s32 $0x0  }
0x6: {  	s5 =	sand.u32 $0x1, s1;
	s4 =	sshll.u32 s0, $0x1;
	s1 =	rddreg [dreg:$0x2]  }
0x7: {  	[smem:$0x7FF] =	sst s3;
	s4 =	sor.u32 s5, s4;
	s8 =	ssub.s32 $0x2, s5  }
0x8: {  	_ =	strace $0x80000047;
	s7 =	smul.u32 $0x1388, s4;
	s10 =	sshrl.u32 s8, $0x1  }
0x9: {  	s5 =	sadd.s32 $0x9E00, s2;
	s4 =	sadd.s32 $0x13C00, s2;
	s8 =	ssub.s32 s8, s10  }
0xa: {  	s10 =	simm.s32 $0x13900;
	s9 =	sadd.s32 s7, s2;
	s6 =	sadd.s32 s6, s7  }
0xb: {  	v0 =	vimm.f32 $0.0e+00;
	s8 =	smax.u32 s8, $0x1;
	s7 =	sadd.s32 $0x1DA00, s9;
	s9 =	simm.s32 $0x3  }
.LBB2_1:
0xc: {  	[tilespmem:s3], [sflag:$0x3] =	stream.linear.gather [hbm4b:s6+s3], $0x9C40, $0x38;
	[tilespmem:$0x1CF00] =	vst v63  }
0xd: {  	_ =	swait.ge [sflag:s9], $0x9C40  }
0xe: {  	[sflag:s9] =	ssyncset.done $0x0  }
0xf: {  	[sflag:s9] =	ssyncadd.s32 $0xFFFF63C0  }
0x10: {  	[tilespmem:s10], [sflag:$0x1] =	stream.linear.gather [hbm4b:s2+s3], $0x1900, $0x38;
	[tilespmem:$0x1CF00] =	vst v63  }
0x11: {  	_ = 	snop  }
0x12: {  	[tilespmem:s11], [sflag:$0x1] =	stream.linear.gather [hbm4b:s5+s3], $0x1900, $0x38;
	[tilespmem:$0x1CF00] =	vst v63  }
0x13: {  	s20 =	simm.s32 $0x40;
	s21 =	simm.s32 $0x0  }
0x14: {  	[tilespmem:s12], [sflag:$0x1] =	stream.linear.gather [hbm4b:s4+s3], $0x1900, $0x38;
	[tilespmem:$0x1CF00] =	vst v63  }
.LBB2_2:
0x15: {  	p0 =	seq.s32 s20, $0x270C0;
	[tilespmem:s21+$0x9C80] =	vst v0;
	s21 =	smov.u32 s20;
	s20 =	sadd.s32 $0x40, s20  }
.Ltmp0:
0x16: {  	(pc) =	sbr.rel @!p0 .LBB2_2-.Ltmp0, $2  }
0x17: {  	_ =	sdelay $0x2  }
0x18: {  	s21 =	sshra.s32 s21, $0x2  }
0x19: {  	[tilespmem:s21+$0x9C80] =	vst v0;
	s20 =	simm.s32 $0x0;
	s21 =	simm.s32 $0x0  }
.LBB2_5:
0x1a: {  	_ =	swait.ge [sflag:s13], $0x1900  }
0x1b: {  	[sflag:s13] =	ssyncset.done $0x0  }
0x1c: {  	[sflag:s13] =	ssyncadd.s32 $0xFFFFE700  }
0x1d: {  	_ =	swait.ge [sflag:s13], $0x1900  }
0x1e: {  	s22 =	smul.u32 $0x3200, s21;
	[sflag:s13] =	ssyncset.done $0x0  }
0x1f: {  	[sflag:s13] =	ssyncadd.s32 $0xFFFFE700  }
0x20: {  	s23 =	sshrl.u32 s22, $0x3;
	_ =	swait.ge [sflag:s13], $0x1900  }
0x21: {  	s23 =	sadd.s32 $0x320, s23;
	[sflag:s13] =	ssyncset.done $0x0  }
0x22: {  	s24 =	sadd.s32 s2, s23;
	[sflag:s13] =	ssyncadd.s32 $0xFFFFE700  }
0x23: {  	[tilespmem:s14], [sflag:$0x2] =	stream.linear.gather [hbm4b:s24+s20], $0x1900, $0x38;
	[tilespmem:$0x1CF00] =	vst v63  }
0x24: {  	s30 =	sadd.s32 s5, s23  }
0x25: {  	[tilespmem:s15], [sflag:$0x2] =	stream.linear.gather [hbm4b:s30+s20], $0x1900, $0x38;
	[tilespmem:$0x1CF00] =	vst v63  }
0x26: {  	s31 =	simm.s32 $0x0;
	s23 =	sadd.s32 s4, s23  }
0x27: {  	[tilespmem:s16], [sflag:$0x2] =	stream.linear.gather [hbm4b:s23+s20], $0x1900, $0x38;
	[tilespmem:$0x1CF00] =	vst v63  }
0x28: {  	v3 =	vld [tilespmem:s31+$0x13900]  }
0x29: {  	v4 =	vld [tilespmem:s31+$0x15200];
	_ =	sdelay $0x3  }
0x2a: {  	v5 =	vadd.s32 $0x2710, v3  }
0x2b: {  	v6 =	vadd.s32 $0x2710, v4  }
0x2c: {  	v7 =	vld [tilespmem:s31+$0x16B00];
	v8 =	vadd.s32 $0x4E20, v4  }
0x2d: {  	v9 =	vadd.s32 $0x4E20, v3;
	v10 =	vld.idx.msk [tilespmem:v3+s3+$0x0], $0xffff  }
0x2e: {  	v11 =	vld.idx.msk [tilespmem:v4+s3+$0x0], $0xffff  }
0x2f: {  	v1 =	vadd.s32 $0x7530, v4;
	v12 =	vld.idx.msk [tilespmem:v5+s3+$0x0], $0xffff  }
0x30: {  	v2 =	vadd.s32 $0x7530, v3;
	v13 =	vld.idx.msk [tilespmem:v6+s3+$0x0], $0xffff  }
0x31: {  	v14 =	vld.idx.msk [tilespmem:v8+s3+$0x0], $0xffff  }
0x32: {  	v15 =	vld.idx.msk [tilespmem:v9+s3+$0x0], $0xffff  }
0x33: {  	v7 =	vmul.f32 v7, v7;
	v10 =	vsub.f32 v11, v10  }
0x34: {  	v60 =	vld.idx.msk [tilespmem:v1+s3+$0x0], $0xffff  }
0x35: {  	v61 =	vld.idx.msk [tilespmem:v2+s3+$0x0], $0xffff;
	v10 =	vmul.f32 v10, v7;
	v12 =	vsub.f32 v13, v12;
	_ =	sdelay $0x1  }
0x36: {  	v14 =	vsub.f32 v14, v15;
	v12 =	vmul.f32 v12, v7;
	v62 =	vsub.f32 $0.0e+00, v10  }
0x37: {  	[tilespmem:v3+s17+$0x0] =	vst.idx.add.f32.msk $0xffff, v10  }
0x38: {  	v3 =	vmul.f32 v14, v7;
	v63 =	vsub.f32 $0.0e+00, v12;
	[tilespmem:v4+s17+$0x0] =	vst.idx.add.f32.msk $0xffff, v62  }
0x39: {  	v4 =	vsub.f32 v60, v61;
	[tilespmem:v5+s17+$0x0] =	vst.idx.add.f32.msk $0xffff, v12  }
0x3a: {  	v5 =	vsub.f32 $0.0e+00, v3;
	[tilespmem:v6+s17+$0x0] =	vst.idx.add.f32.msk $0xffff, v63  }
0x3b: {  	[tilespmem:v9+s17+$0x0] =	vst.idx.add.f32.msk $0xffff, v3;
	v3 =	vmul.f32 v4, v7  }
0x3c: {  	s23 =	simm.s32 $0x40;
	[tilespmem:v8+s17+$0x0] =	vst.idx.add.f32.msk $0xffff, v5  }
.LBB2_6:
0x3d: {  	p0 =	sne.s32 s23, $0x63C0;
	v4 =	vsub.f32 $0.0e+00, v3;
	[tilespmem:v2+s17+$0x0] =	vst.idx.add.f32.msk $0xffff, v3;
	s24 =	smov.u32 s23;
	s23 =	sadd.s32 $0x40, s23  }
0x3e: {  	_ = 	snop  }
0x3f: {  	s24 =	sshra.s32 s24, $0x2;
	[tilespmem:v1+s17+$0x0] =	vst.idx.add.f32.msk $0xffff, v4  }
0x40: {  	v3 =	vld [tilespmem:s24+$0x13900]  }
0x41: {  	v4 =	vld [tilespmem:s24+$0x15200];
	_ =	sdelay $0x3  }
0x42: {  	v5 =	vadd.s32 $0x2710, v3  }
0x43: {  	v6 =	vadd.s32 $0x2710, v4  }
0x44: {  	v8 =	vadd.s32 $0x4E20, v3;
	v9 =	vadd.s32 $0x4E20, v4;
	v7 =	vld [tilespmem:s24+$0x16B00]  }
0x45: {  	v10 =	vld.idx.msk [tilespmem:v3+s3+$0x0], $0xffff  }
0x46: {  	v11 =	vld.idx.msk [tilespmem:v4+s3+$0x0], $0xffff  }
0x47: {  	v2 =	vadd.s32 $0x7530, v3;
	v1 =	vadd.s32 $0x7530, v4;
	v12 =	vld.idx.msk [tilespmem:v5+s3+$0x0], $0xffff  }
0x48: {  	v13 =	vld.idx.msk [tilespmem:v6+s3+$0x0], $0xffff  }
0x49: {  	v14 =	vld.idx.msk [tilespmem:v9+s3+$0x0], $0xffff  }
0x4a: {  	v15 =	vld.idx.msk [tilespmem:v8+s3+$0x0], $0xffff;
	_ =	sdelay $0x1  }
0x4b: {  	v7 =	vmul.f32 v7, v7;
	v10 =	vsub.f32 v11, v10;
	v16 =	vld.idx.msk [tilespmem:v1+s3+$0x0], $0xffff  }
0x4c: {  	v11 =	vld.idx.msk [tilespmem:v2+s3+$0x0], $0xffff  }
0x4d: {  	v10 =	vmul.f32 v10, v7;
	v12 =	vsub.f32 v13, v12;
	_ =	sdelay $0x1  }
0x4e: {  	v12 =	vmul.f32 v12, v7;
	v13 =	vsub.f32 v14, v15;
	v14 =	vsub.f32 $0.0e+00, v10;
	[tilespmem:v3+s17+$0x0] =	vst.idx.add.f32.msk $0xffff, v10;
	_ =	sdelay $0x1  }
.Ltmp1:
0x4f: {  	v10 =	vmul.f32 v13, v7;
	v3 =	vsub.f32 $0.0e+00, v12;
	[tilespmem:v4+s17+$0x0] =	vst.idx.add.f32.msk $0xffff, v14;
	(pc) =	sbr.rel @p0 .LBB2_6-.Ltmp1, $4  }
0x50: {  	v4 =	vsub.f32 v16, v11;
	[tilespmem:v5+s17+$0x0] =	vst.idx.add.f32.msk $0xffff, v12  }
0x51: {  	v5 =	vsub.f32 $0.0e+00, v10;
	[tilespmem:v6+s17+$0x0] =	vst.idx.add.f32.msk $0xffff, v3  }
0x52: {  	v3 =	vmul.f32 v4, v7;
	[tilespmem:v8+s17+$0x0] =	vst.idx.add.f32.msk $0xffff, v10  }
0x53: {  	[tilespmem:v9+s17+$0x0] =	vst.idx.add.f32.msk $0xffff, v5  }
0x54: {  	_ =	sdelay $0x2  }
0x55: {  	v4 =	vsub.f32 $0.0e+00, v3  }
0x56: {  	[tilespmem:v2+s17+$0x0] =	vst.idx.add.f32.msk $0xffff, v3  }
0x57: {  	[tilespmem:v1+s17+$0x0] =	vst.idx.add.f32.msk $0xffff, v4  }
0x58: {  	_ =	swait.ge [sflag:s18], $0x1900  }
0x59: {  	[sflag:s18] =	ssyncset.done $0x0  }
0x5a: {  	[sflag:s18] =	ssyncadd.s32 $0xFFFFE700  }
0x5b: {  	_ =	swait.ge [sflag:s18], $0x1900  }
0x5c: {  	[sflag:s18] =	ssyncset.done $0x0  }
0x5d: {  	p0 =	seq.s32 s21, $0x18;
	[sflag:s18] =	ssyncadd.s32 $0xFFFFE700  }
0x5e: {  	s22 =	sshrl.u32 @!p0 s22, $0x3;
	_ =	swait.ge [sflag:s18], $0x1900  }
0x5f: {  	s24 =	simm.s32 @!p0 $0x0;
	s22 =	sadd.s32 @!p0 $0x640, s22;
	[sflag:s18] =	ssyncset.done $0x0  }
0x60: {  	s25 =	simm.s32 @!p0 $0x13900;
	s23 =	sadd.s32 @!p0 s2, s22;
	[sflag:s18] =	ssyncadd.s32 $0xFFFFE700  }
0x61: {  	[tilespmem:s25], [sflag:$0x1] =	stream.linear.gather @!p0 [hbm4b:s23+s24], $0x1900, $0x38;
	[tilespmem:$0x1CF00] =	vst v63  }
0x62: {  	s23 =	sadd.s32 @!p0 s5, s22;
	s25 =	simm.s32 @!p0 $0x15200  }
0x63: {  	[tilespmem:s25], [sflag:$0x1] =	stream.linear.gather @!p0 [hbm4b:s23+s24], $0x1900, $0x38;
	[tilespmem:$0x1CF00] =	vst v63  }
0x64: {  	s31 =	simm.s32 $0x0;
	s22 =	sadd.s32 @!p0 s4, s22;
	s23 =	simm.s32 @!p0 $0x16B00  }
0x65: {  	[tilespmem:s23], [sflag:$0x1] =	stream.linear.gather @!p0 [hbm4b:s22+s24], $0x1900, $0x38;
	[tilespmem:$0x1CF00] =	vst v63  }
0x66: {  	v3 =	vld [tilespmem:s31+$0x18400]  }
0x67: {  	v4 =	vld [tilespmem:s31+$0x19D00];
	_ =	sdelay $0x3  }
0x68: {  	v5 =	vadd.s32 $0x2710, v3  }
0x69: {  	v6 =	vadd.s32 $0x2710, v4  }
0x6a: {  	v7 =	vld [tilespmem:s31+$0x1B600];
	v8 =	vadd.s32 $0x4E20, v4  }
0x6b: {  	v9 =	vadd.s32 $0x4E20, v3;
	v10 =	vld.idx.msk [tilespmem:v3+s3+$0x0], $0xffff  }
0x6c: {  	v11 =	vld.idx.msk [tilespmem:v4+s3+$0x0], $0xffff  }
0x6d: {  	v1 =	vadd.s32 $0x7530, v4;
	v12 =	vld.idx.msk [tilespmem:v5+s3+$0x0], $0xffff  }
0x6e: {  	v2 =	vadd.s32 $0x7530, v3;
	v13 =	vld.idx.msk [tilespmem:v6+s3+$0x0], $0xffff  }
0x6f: {  	v14 =	vld.idx.msk [tilespmem:v8+s3+$0x0], $0xffff  }
0x70: {  	v15 =	vld.idx.msk [tilespmem:v9+s3+$0x0], $0xffff  }
0x71: {  	v7 =	vmul.f32 v7, v7;
	v10 =	vsub.f32 v11, v10  }
0x72: {  	v60 =	vld.idx.msk [tilespmem:v1+s3+$0x0], $0xffff  }
0x73: {  	v61 =	vld.idx.msk [tilespmem:v2+s3+$0x0], $0xffff;
	v10 =	vmul.f32 v10, v7;
	v12 =	vsub.f32 v13, v12;
	_ =	sdelay $0x1  }
0x74: {  	v14 =	vsub.f32 v14, v15;
	v12 =	vmul.f32 v12, v7;
	v62 =	vsub.f32 $0.0e+00, v10  }
0x75: {  	[tilespmem:v3+s17+$0x0] =	vst.idx.add.f32.msk $0xffff, v10  }
0x76: {  	v3 =	vmul.f32 v14, v7;
	v63 =	vsub.f32 $0.0e+00, v12;
	[tilespmem:v4+s17+$0x0] =	vst.idx.add.f32.msk $0xffff, v62  }
0x77: {  	v4 =	vsub.f32 v60, v61;
	[tilespmem:v5+s17+$0x0] =	vst.idx.add.f32.msk $0xffff, v12  }
0x78: {  	v5 =	vsub.f32 $0.0e+00, v3;
	[tilespmem:v6+s17+$0x0] =	vst.idx.add.f32.msk $0xffff, v63  }
0x79: {  	[tilespmem:v9+s17+$0x0] =	vst.idx.add.f32.msk $0xffff, v3;
	v3 =	vmul.f32 v4, v7  }
0x7a: {  	s21 =	sadd.s32 $0x1, s21;
	s22 =	simm.s32 $0x40;
	[tilespmem:v8+s17+$0x0] =	vst.idx.add.f32.msk $0xffff, v5  }
.LBB2_8:
0x7b: {  	p0 =	seq.s32 s22, $0x63C0;
	v4 =	vsub.f32 $0.0e+00, v3;
	[tilespmem:v2+s17+$0x0] =	vst.idx.add.f32.msk $0xffff, v3;
	s23 =	smov.u32 s22;
	s22 =	sadd.s32 $0x40, s22  }
0x7c: {  	_ = 	snop  }
0x7d: {  	s23 =	sshra.s32 s23, $0x2;
	[tilespmem:v1+s17+$0x0] =	vst.idx.add.f32.msk $0xffff, v4  }
0x7e: {  	v3 =	vld [tilespmem:s23+$0x18400]  }
0x7f: {  	v4 =	vld [tilespmem:s23+$0x19D00];
	_ =	sdelay $0x3  }
0x80: {  	v5 =	vadd.s32 $0x2710, v3  }
0x81: {  	v6 =	vadd.s32 $0x2710, v4  }
0x82: {  	v8 =	vadd.s32 $0x4E20, v3;
	v9 =	vadd.s32 $0x4E20, v4;
	v7 =	vld [tilespmem:s23+$0x1B600]  }
0x83: {  	v10 =	vld.idx.msk [tilespmem:v3+s3+$0x0], $0xffff  }
0x84: {  	v11 =	vld.idx.msk [tilespmem:v4+s3+$0x0], $0xffff  }
0x85: {  	v2 =	vadd.s32 $0x7530, v3;
	v1 =	vadd.s32 $0x7530, v4;
	v12 =	vld.idx.msk [tilespmem:v5+s3+$0x0], $0xffff  }
0x86: {  	v13 =	vld.idx.msk [tilespmem:v6+s3+$0x0], $0xffff  }
0x87: {  	v14 =	vld.idx.msk [tilespmem:v9+s3+$0x0], $0xffff  }
0x88: {  	v15 =	vld.idx.msk [tilespmem:v8+s3+$0x0], $0xffff;
	_ =	sdelay $0x1  }
0x89: {  	v7 =	vmul.f32 v7, v7;
	v10 =	vsub.f32 v11, v10;
	v16 =	vld.idx.msk [tilespmem:v1+s3+$0x0], $0xffff  }
0x8a: {  	v11 =	vld.idx.msk [tilespmem:v2+s3+$0x0], $0xffff  }
0x8b: {  	v10 =	vmul.f32 v10, v7;
	v12 =	vsub.f32 v13, v12;
	_ =	sdelay $0x1  }
0x8c: {  	v12 =	vmul.f32 v12, v7;
	v13 =	vsub.f32 v14, v15;
	v14 =	vsub.f32 $0.0e+00, v10;
	[tilespmem:v3+s17+$0x0] =	vst.idx.add.f32.msk $0xffff, v10;
	_ =	sdelay $0x1  }
.Ltmp2:
0x8d: {  	v10 =	vmul.f32 v13, v7;
	v3 =	vsub.f32 $0.0e+00, v12;
	[tilespmem:v4+s17+$0x0] =	vst.idx.add.f32.msk $0xffff, v14;
	(pc) =	sbr.rel @!p0 .LBB2_8-.Ltmp2, $4  }
0x8e: {  	v4 =	vsub.f32 v16, v11;
	[tilespmem:v5+s17+$0x0] =	vst.idx.add.f32.msk $0xffff, v12  }
0x8f: {  	v5 =	vsub.f32 $0.0e+00, v10;
	[tilespmem:v6+s17+$0x0] =	vst.idx.add.f32.msk $0xffff, v3  }
0x90: {  	v3 =	vmul.f32 v4, v7;
	[tilespmem:v8+s17+$0x0] =	vst.idx.add.f32.msk $0xffff, v10  }
0x91: {  	[tilespmem:v9+s17+$0x0] =	vst.idx.add.f32.msk $0xffff, v5  }
0x92: {  	_ =	sdelay $0x2  }
0x93: {  	v4 =	vsub.f32 $0.0e+00, v3  }
0x94: {  	[tilespmem:v2+s17+$0x0] =	vst.idx.add.f32.msk $0xffff, v3  }
0x95: {  	[tilespmem:v1+s17+$0x0] =	vst.idx.add.f32.msk $0xffff, v4  }
0x96: {  	p0 =	seq.s32 s21, $0x19  }
.Ltmp3:
0x97: {  	_ = 	snop;
	(pc) =	sbr.rel @!p0 .LBB2_5-.Ltmp3, $1  }
0x98: {  	_ =	sdelay $0x3  }
0x99: {  	s19 =	sadd.s32 $0x1, s19  }
0x9a: {  	p0 =	sne.s32 s19, s8  }
.Ltmp4:
0x9b: {  	_ = 	snop;
	(pc) =	sbr.rel @p0 .LBB2_1-.Ltmp4, $4  }
0x9c: {  	[hbm4b:s7+s3] =	stream.linear.scatter [tilespmem:s17], [sflag:$0x3], $0x9C40, $0x38;
	[tilespmem:$0x1CF00] =	vst v63  }
0x9d: {  	_ =	swait.ge [sflag:s9], $0x9C40  }
0x9e: {  	[sflag:s9] =	ssyncset.done $0x0  }
0x9f: {  	[sflag:s9] =	ssyncadd.s32 $0xFFFF63C0  }
0xa0: {  	_ =	sfence.sel $0x180000  }
0xa1: {  	[bflag:$0x0] =	sbarrier.arrive $0xFFFF  }
0xa2: {  	p0 =	sne.s32 s0, $0x0;
	_ =	strace $0x90000047  }
0xa3: {  	s0 =	sadd.s32 @!p0 $0x100000, s1;
	[bflag:$0x2] =	sbarrier.arrive $0xFFFF  }
0xa4: {  	[sflag:s0] =	ssyncadd.tile.s32 @!p0 $0x1;
	_ =	shalt  }
.Lfunc_end2:
_tile_overlayer_lowered:
.L_overlay_start_2:
0xa5: {  	(tag) =	ssettag $0x2  }
0xa6: {  	s0 =	rddreg [dreg:$0x0];
	s2 =	stileid.u32  }
0xa7: {  	s1 =	rddreg [dreg:$0x1];
	p0 =	sne.s32 s2, $0x0  }
0xa8: {  	s3 =	rddreg [dreg:$0x2];
	[bflag:$0x3] =	sbarrier.arrive $0xFFFF;
	s2 =	simm.s32 @!p0 $0x1C03  }
0xa9: {  	[timem:s3], [sflag:s2] =	dma.local @!p0 [hbm:s0], s1  }
0xaa: {  	s0 =	simm.s32 @!p0 $0x3  }
0xab: {  	_ =	swait.ge @!p0 [sflag:s0], s1  }
0xac: {  	s1 =	ssub.s32 @!p0 $0x0, s1;
	[sflag:s0] =	ssyncset.done @!p0 $0x0  }
0xad: {  	[sflag:s0] =	ssyncadd.s32 @!p0 s1  }
0xae: {  	[bflag:$0x3] =	sbarrier.arrive $0xFFFF  }
0xaf: {  	_ =	shalt  }

</sc_bundles>
